<compile_context>
chip_gen: v7x
topology: tpu7x:2x2x1
jax: 0.10.2.dev20260603
libtpu: 0.0.44.dev20260713+nightly
codegen_flags: <defaults>
</compile_context>

<pallas_src>
import functools
import math

import numpy as np

import jax
import jax.numpy as jnp
from jax import lax
from jax.experimental import pallas as pl
from jax.experimental.pallas import tpu as pltpu
from jax.experimental.pallas import tpu_sc as plsc

K = 1000
ETA = 0.7
_KPAD = 1024
_T_TABLE = np.asarray(
    [(1.0 - ETA) * math.cos(2.0 * math.pi * i / K) + ETA for i in range(K)]
    + [0.0] * (_KPAD - K),
    dtype=np.float32,
)

_ROWS = 2


def _factors_body(steps_hbm, table_hbm, out_hbm, steps_v, idx_v, fac_v, sem):
    c = lax.axis_index("c")
    s = lax.axis_index("s")

    @pl.when(jnp.logical_and(c == 0, s == 0))
    def _():
        pltpu.sync_copy(steps_hbm, steps_v)
        for j in range(steps_v.shape[0] // 16):
            sl = pl.ds(j * 16, 16)
            idx = steps_v[sl] - 1
            idx_v[sl] = jnp.where(idx < 0, idx + K, idx)
        pltpu.async_copy(table_hbm.at[idx_v], fac_v, sem).wait()
        pltpu.sync_copy(fac_v, out_hbm)


def _gather_factors(steps, table):
    n = steps.shape[0]
    mesh = plsc.VectorSubcoreMesh(core_axis_name="c", subcore_axis_name="s")
    fn = functools.partial(
        pl.kernel,
        out_type=jax.ShapeDtypeStruct((n,), jnp.float32),
        mesh=mesh,
        scratch_types=[
            pltpu.VMEM((n,), jnp.int32),
            pltpu.VMEM((n,), jnp.int32),
            pltpu.VMEM((n,), jnp.float32),
            pltpu.SemaphoreType.DMA,
        ],
    )(_factors_body)
    return fn(steps, table)


def _scale_body(fac_ref, x_ref, o_ref):
    g = pl.program_id(0)
    fs = [fac_ref[g * _ROWS + r] for r in range(_ROWS)]
    factors = jnp.stack(fs).reshape(_ROWS, 1, 1)
    o_ref[...] = jnp.clip(x_ref[...] * factors, 0.0, 1.0)


def kernel(x, fwd_steps):
    B, C, H, W = x.shape
    factors = _gather_factors(fwd_steps.astype(jnp.int32), jnp.asarray(_T_TABLE))
    x2 = x.reshape(B, C * H, W)
    grid = (B // _ROWS,)
    spec = pltpu.PrefetchScalarGridSpec(
        num_scalar_prefetch=1,
        grid=grid,
        in_specs=[
            pl.BlockSpec((_ROWS, C * H, W), lambda b, *_: (b, 0, 0)),
        ],
        out_specs=pl.BlockSpec((_ROWS, C * H, W), lambda b, *_: (b, 0, 0)),
    )
    out = pl.pallas_call(
        _scale_body,
        grid_spec=spec,
        out_shape=jax.ShapeDtypeStruct(x2.shape, x2.dtype),
        compiler_params=pltpu.CompilerParams(
            dimension_semantics=("parallel",),
        ),
    )(factors, x2)
    return out.reshape(B, C, H, W)

# --- scband reference (transcript-rebuilt; emitter-appended) ---
"""Pipeline reference for scband-darkening-map-no-sink-51951924413093 (READ-ONLY COPY).

The authoritative reference and input builder live on the scoring server;
editing this copy changes nothing except your own understanding.
"""

import jax, jax.numpy as jnp
import numpy as np
import math

K = 1000
ETA = 0.7
# Precomputed brightness schedule from __init__: T[i] = (1-eta)*cos(2*pi*i/K) + eta
T_TABLE = jnp.asarray([(1.0 - ETA) * math.cos(2.0 * math.pi * i / K) + ETA for i in range(K)], dtype=jnp.float32)


def setup_inputs(seed: int = 0) -> dict:
    key = jax.random.key(seed)
    k1, k2 = jax.random.split(key)
    x = jax.random.uniform(k1, (64, 3, 512, 512), dtype=jnp.float32)
    fwd_steps = jax.random.randint(k2, (64,), 0, 1000)
    return {"x": x, "fwd_steps": fwd_steps}


def reference(x, fwd_steps):
    # Original loop: x[i] = adjust_brightness(x[i], T[int(fwd_steps[i] - 1)])
    # torchvision adjust_brightness on float tensors: clamp(img * factor, 0, 1).
    # Python list indexing T[step-1] wraps negative indices (step==0 -> T[-1] == T[K-1]);
    # replicate that wrap explicitly for gather.
    idx = fwd_steps - 1
    idx = jnp.where(idx < 0, idx + K, idx)
    factors = jnp.take(T_TABLE, idx)  # gather per-sample brightness factor [B]
    out = jnp.clip(x * factors[:, None, None, None], 0.0, 1.0)
    return out

if __name__ == "__main__":
    import jax
    _d = setup_inputs()
    print(jax.jit(kernel)(*tuple(_d.values())))

</pallas_src>

<mosaic_0001>
#map = affine_map<(d0, d1) -> (0)>
module attributes {stable_mosaic.version = 14 : i64} {
  func.func @_factors_body(%arg0: i32, %arg1: i32, %arg2: memref<64xi32, #tpu.memory_space<hbm>>, %arg3: memref<1024xf32, #tpu.memory_space<hbm>>, %arg4: memref<64xf32, #tpu.memory_space<hbm>>, %arg5: memref<64xi32, #tpu.memory_space<vmem>>, %arg6: memref<64xi32, #tpu.memory_space<vmem>>, %arg7: memref<64xf32, #tpu.memory_space<vmem>>, %arg8: memref<!tpu.dma_semaphore, #tpu.memory_space<semaphore_mem>>) attributes {dimension_semantics = [#tpu.dimension_semantics<core_parallel>, #tpu.dimension_semantics<subcore_parallel>], iteration_bounds = array<i64: 2, 16>, scalar_prefetch = 0 : i64, scratch_operands = 4 : i64, tpu.core_type = #tpu.core_type<sc_vector_subcore>, window_params = [{transform_indices = #map}, {transform_indices = #map}, {transform_indices = #map}]} {
    %eq3A = arith.constant 0 : i32
    %eq3A_0 = arith.cmpi eq, %arg0, %eq3A : i32
    %eq3A_1 = arith.constant 0 : i32
    %eq3A_2 = arith.cmpi eq, %arg1, %eq3A_1 : i32
    %and3A = arith.andi %eq3A_0, %eq3A_2 : i1
    %convert_element_type3A = arith.extui %and3A : i1 to i32
    %cond3A = arith.constant 0 : i32
    %cond3A_3 = arith.cmpi ne, %convert_element_type3A, %cond3A : i32
    scf.if %cond3A_3 {
      "tpu.region"() ({
        %run_scoped3A = tpu.sem_alloc : memref<!tpu.dma_semaphore, #tpu.memory_space<semaphore_mem>>
        tpu.enqueue_dma source(%arg2 : memref<64xi32, #tpu.memory_space<hbm>>) target(%arg5 : memref<64xi32, #tpu.memory_space<vmem>>) target_semaphore(%run_scoped3A : memref<!tpu.dma_semaphore, #tpu.memory_space<semaphore_mem>>)
        tpu.wait_dma2 semaphore(%run_scoped3A : memref<!tpu.dma_semaphore, #tpu.memory_space<semaphore_mem>>) src(%arg2 : memref<64xi32, #tpu.memory_space<hbm>>) dst(%arg5 : memref<64xi32, #tpu.memory_space<vmem>>)
        tpu.yield
      }) : () -> ()
      %get3A = arith.constant 0 : index
      %get3A_4 = tpu.vector_load %arg5[%get3A] {strides = array<i32>} : memref<64xi32, #tpu.memory_space<vmem>>, vector<16xi32>,
      %get3A_5 = vector.shape_cast %get3A_4 : vector<16xi32> to vector<16xi32>
      %sub3A = arith.constant 1 : i32
      %sub3A_6 = vector.broadcast %sub3A : i32 to vector<16xi32>
      %sub3A_7 = arith.subi %get3A_5, %sub3A_6 : vector<16xi32>
      %lt3A = arith.constant 0 : i32
      %lt3A_8 = vector.broadcast %lt3A : i32 to vector<16xi32>
      %lt3A_9 = arith.cmpi slt, %sub3A_7, %lt3A_8 : vector<16xi32>
      %add3A = arith.constant 1000 : i32
      %add3A_10 = vector.broadcast %add3A : i32 to vector<16xi32>
      %add3A_11 = arith.addi %sub3A_7, %add3A_10 : vector<16xi32>
      %select_n3A = arith.select %lt3A_9, %add3A_11, %sub3A_7 : vector<16xi1>, vector<16xi32>
      %swap3A = arith.constant 0 : index
      %swap3A_12 = tpu.vector_load %arg6[%swap3A] {strides = array<i32>} : memref<64xi32, #tpu.memory_space<vmem>>, vector<16xi32>,
      %swap3A_13 = vector.shape_cast %swap3A_12 : vector<16xi32> to vector<16xi32>
      %swap3A_14 = vector.shape_cast %select_n3A : vector<16xi32> to vector<16xi32>
      tpu.vector_store %arg6[%swap3A], %swap3A_14 {strides = array<i32>} : memref<64xi32, #tpu.memory_space<vmem>>, vector<16xi32>,
      %get3A_15 = arith.constant 16 : index
      %get3A_16 = tpu.vector_load %arg5[%get3A_15] {strides = array<i32>} : memref<64xi32, #tpu.memory_space<vmem>>, vector<16xi32>,
      %get3A_17 = vector.shape_cast %get3A_16 : vector<16xi32> to vector<16xi32>
      %sub3A_18 = arith.constant 1 : i32
      %sub3A_19 = vector.broadcast %sub3A_18 : i32 to vector<16xi32>
      %sub3A_20 = arith.subi %get3A_17, %sub3A_19 : vector<16xi32>
      %lt3A_21 = arith.constant 0 : i32
      %lt3A_22 = vector.broadcast %lt3A_21 : i32 to vector<16xi32>
      %lt3A_23 = arith.cmpi slt, %sub3A_20, %lt3A_22 : vector<16xi32>
      %add3A_24 = arith.constant 1000 : i32
      %add3A_25 = vector.broadcast %add3A_24 : i32 to vector<16xi32>
      %add3A_26 = arith.addi %sub3A_20, %add3A_25 : vector<16xi32>
      %select_n3A_27 = arith.select %lt3A_23, %add3A_26, %sub3A_20 : vector<16xi1>, vector<16xi32>
      %swap3A_28 = arith.constant 16 : index
      %swap3A_29 = tpu.vector_load %arg6[%swap3A_28] {strides = array<i32>} : memref<64xi32, #tpu.memory_space<vmem>>, vector<16xi32>,
      %swap3A_30 = vector.shape_cast %swap3A_29 : vector<16xi32> to vector<16xi32>
      %swap3A_31 = vector.shape_cast %select_n3A_27 : vector<16xi32> to vector<16xi32>
      tpu.vector_store %arg6[%swap3A_28], %swap3A_31 {strides = array<i32>} : memref<64xi32, #tpu.memory_space<vmem>>, vector<16xi32>,
      %get3A_32 = arith.constant 32 : index
      %get3A_33 = tpu.vector_load %arg5[%get3A_32] {strides = array<i32>} : memref<64xi32, #tpu.memory_space<vmem>>, vector<16xi32>,
      %get3A_34 = vector.shape_cast %get3A_33 : vector<16xi32> to vector<16xi32>
      %sub3A_35 = arith.constant 1 : i32
      %sub3A_36 = vector.broadcast %sub3A_35 : i32 to vector<16xi32>
      %sub3A_37 = arith.subi %get3A_34, %sub3A_36 : vector<16xi32>
      %lt3A_38 = arith.constant 0 : i32
      %lt3A_39 = vector.broadcast %lt3A_38 : i32 to vector<16xi32>
      %lt3A_40 = arith.cmpi slt, %sub3A_37, %lt3A_39 : vector<16xi32>
      %add3A_41 = arith.constant 1000 : i32
      %add3A_42 = vector.broadcast %add3A_41 : i32 to vector<16xi32>
      %add3A_43 = arith.addi %sub3A_37, %add3A_42 : vector<16xi32>
      %select_n3A_44 = arith.select %lt3A_40, %add3A_43, %sub3A_37 : vector<16xi1>, vector<16xi32>
      %swap3A_45 = arith.constant 32 : index
      %swap3A_46 = tpu.vector_load %arg6[%swap3A_45] {strides = array<i32>} : memref<64xi32, #tpu.memory_space<vmem>>, vector<16xi32>,
      %swap3A_47 = vector.shape_cast %swap3A_46 : vector<16xi32> to vector<16xi32>
      %swap3A_48 = vector.shape_cast %select_n3A_44 : vector<16xi32> to vector<16xi32>
      tpu.vector_store %arg6[%swap3A_45], %swap3A_48 {strides = array<i32>} : memref<64xi32, #tpu.memory_space<vmem>>, vector<16xi32>,
      %get3A_49 = arith.constant 48 : index
      %get3A_50 = tpu.vector_load %arg5[%get3A_49] {strides = array<i32>} : memref<64xi32, #tpu.memory_space<vmem>>, vector<16xi32>,
      %get3A_51 = vector.shape_cast %get3A_50 : vector<16xi32> to vector<16xi32>
      %sub3A_52 = arith.constant 1 : i32
      %sub3A_53 = vector.broadcast %sub3A_52 : i32 to vector<16xi32>
      %sub3A_54 = arith.subi %get3A_51, %sub3A_53 : vector<16xi32>
      %lt3A_55 = arith.constant 0 : i32
      %lt3A_56 = vector.broadcast %lt3A_55 : i32 to vector<16xi32>
      %lt3A_57 = arith.cmpi slt, %sub3A_54, %lt3A_56 : vector<16xi32>
      %add3A_58 = arith.constant 1000 : i32
      %add3A_59 = vector.broadcast %add3A_58 : i32 to vector<16xi32>
      %add3A_60 = arith.addi %sub3A_54, %add3A_59 : vector<16xi32>
      %select_n3A_61 = arith.select %lt3A_57, %add3A_60, %sub3A_54 : vector<16xi1>, vector<16xi32>
      %swap3A_62 = arith.constant 48 : index
      %swap3A_63 = tpu.vector_load %arg6[%swap3A_62] {strides = array<i32>} : memref<64xi32, #tpu.memory_space<vmem>>, vector<16xi32>,
      %swap3A_64 = vector.shape_cast %swap3A_63 : vector<16xi32> to vector<16xi32>
      %swap3A_65 = vector.shape_cast %select_n3A_61 : vector<16xi32> to vector<16xi32>
      tpu.vector_store %arg6[%swap3A_62], %swap3A_65 {strides = array<i32>} : memref<64xi32, #tpu.memory_space<vmem>>, vector<16xi32>,
      %dma_start3A = arith.constant 0 : i32
      %dma_start3A_66 = tpu.memref_slice %arg3[%dma_start3A] : memref<1024xf32, #tpu.memory_space<hbm>> -> memref<1024xf32, #tpu.memory_space<hbm>>
      tpu.enqueue_indirect_dma source(%dma_start3A_66 : memref<1024xf32, #tpu.memory_space<hbm>>) target(%arg7 : memref<64xf32, #tpu.memory_space<vmem>>) offsets(%arg6 : memref<64xi32, #tpu.memory_space<vmem>>) semaphore(%arg8 : memref<!tpu.dma_semaphore, #tpu.memory_space<semaphore_mem>>)
      %dma_wait3A = arith.constant 0 : i32
      %dma_wait3A_67 = tpu.memref_slice %arg3[%dma_wait3A] : memref<1024xf32, #tpu.memory_space<hbm>> -> memref<1024xf32, #tpu.memory_space<hbm>>
      tpu.wait_indirect_dma semaphore(%arg8 : memref<!tpu.dma_semaphore, #tpu.memory_space<semaphore_mem>>) src(%dma_wait3A_67 : memref<1024xf32, #tpu.memory_space<hbm>>) dst(%arg7 : memref<64xf32, #tpu.memory_space<vmem>>)
      "tpu.region"() ({
        %run_scoped3A = tpu.sem_alloc : memref<!tpu.dma_semaphore, #tpu.memory_space<semaphore_mem>>
        tpu.enqueue_dma source(%arg7 : memref<64xf32, #tpu.memory_space<vmem>>) target(%arg4 : memref<64xf32, #tpu.memory_space<hbm>>) target_semaphore(%run_scoped3A : memref<!tpu.dma_semaphore, #tpu.memory_space<semaphore_mem>>)
        tpu.wait_dma2 semaphore(%run_scoped3A : memref<!tpu.dma_semaphore, #tpu.memory_space<semaphore_mem>>) src(%arg7 : memref<64xf32, #tpu.memory_space<vmem>>) dst(%arg4 : memref<64xf32, #tpu.memory_space<hbm>>)
        tpu.yield
      }) : () -> ()
    } else {
    }
    return
  }
}

module attributes {stable_mosaic.version = 14 : i64} {
  func.func @_scale_body(%arg0: i32, %arg1: memref<64xf32, #tpu.memory_space<smem>>, %arg2: memref<2x1536x512xf32, #tpu.memory_space<vmem>>, %arg3: memref<2x1536x512xf32, #tpu.memory_space<vmem>>) attributes {dimension_semantics = [#tpu.dimension_semantics<parallel>], iteration_bounds = array<i64: 32>, scalar_prefetch = 1 : i64, scratch_operands = 0 : i64, tpu.core_type = #tpu.core_type<tc>, window_params = [{transform_indices = @transform_0, window_bounds = array<i64: 2, 1536, 512>}, {transform_indices = @transform_1, window_bounds = array<i64: 2, 1536, 512>}]} {
    %mul3A = arith.constant 2 : i32
    %mul3A_0 = arith.muli %arg0, %mul3A : i32
    %add3A = arith.constant 0 : i32
    %add3A_1 = arith.addi %mul3A_0, %add3A : i32
    %get3A = arith.index_cast %add3A_1 : i32 to index
    %get3A_2 = memref.load %arg1[%get3A] : memref<64xf32, #tpu.memory_space<smem>>
    %mul3A_3 = arith.constant 2 : i32
    %mul3A_4 = arith.muli %arg0, %mul3A_3 : i32
    %add3A_5 = arith.constant 1 : i32
    %add3A_6 = arith.addi %mul3A_4, %add3A_5 : i32
    %get3A_7 = arith.index_cast %add3A_6 : i32 to index
    %get3A_8 = memref.load %arg1[%get3A_7] : memref<64xf32, #tpu.memory_space<smem>>
    %stack3A = vector.broadcast %get3A_2 : f32 to vector<1xf32>
    %stack3A_9 = vector.broadcast %get3A_8 : f32 to vector<1xf32>
    %stack3A_10 = tpu.concatenate %stack3A, %stack3A_9 in 0 : vector<1xf32>, vector<1xf32> -> vector<2xf32>
    %reshape3A = vector.shape_cast %stack3A_10 : vector<2xf32> to vector<2x1x1xf32>
    %get3A_11 = arith.constant 0 : index
    %get3A_12 = arith.constant 0 : index
    %get3A_13 = arith.constant 0 : index
    %get3A_14 = vector.load %arg2[%get3A_11, %get3A_12, %get3A_13] : memref<2x1536x512xf32, #tpu.memory_space<vmem>>, vector<2x1536x512xf32>
    %mul3A_15 = vector.broadcast %reshape3A : vector<2x1x1xf32> to vector<2x1536x512xf32>
    %mul3A_16 = arith.mulf %get3A_14, %mul3A_15 : vector<2x1536x512xf32>
    %jit3A = arith.constant 0.000000e+00 : f32
    %jit3A_17 = arith.constant 1.000000e+00 : f32
    %max3A = vector.broadcast %jit3A : f32 to vector<2x1536x512xf32>
    %max3A_18 = arith.maximumf %max3A, %mul3A_16 : vector<2x1536x512xf32>
    %min3A = vector.broadcast %jit3A_17 : f32 to vector<2x1536x512xf32>
    %min3A_19 = arith.minimumf %min3A, %max3A_18 : vector<2x1536x512xf32>
    %swap3A = arith.constant 0 : index
    %swap3A_20 = arith.constant 0 : index
    %swap3A_21 = arith.constant 0 : index
    %swap3A_22 = vector.load %arg3[%swap3A, %swap3A_20, %swap3A_21] : memref<2x1536x512xf32, #tpu.memory_space<vmem>>, vector<2x1536x512xf32>
    tpu.vector_store %arg3[%swap3A, %swap3A_20, %swap3A_21], %min3A_19 {strides = array<i32>} : memref<2x1536x512xf32, #tpu.memory_space<vmem>>, vector<2x1536x512xf32>,
    return
  }
  func.func @transform_0(%arg0: i32, %arg1: memref<64xf32, #tpu.memory_space<smem>>) -> (i32, i32, i32) {
    %c0_i32 = arith.constant 0 : i32
    %c0_i32_0 = arith.constant 0 : i32
    %c0_i32_1 = arith.constant 0 : i32
    return %arg0, %c0_i32, %c0_i32_0 : i32, i32, i32
  }
  func.func @transform_1(%arg0: i32, %arg1: memref<64xf32, #tpu.memory_space<smem>>) -> (i32, i32, i32) {
    %c0_i32 = arith.constant 0 : i32
    %c0_i32_0 = arith.constant 0 : i32
    %c0_i32_1 = arith.constant 0 : i32
    return %arg0, %c0_i32, %c0_i32_0 : i32, i32, i32
  }
}

</mosaic_0001>

<sc_bundles>
// kernel: kernel.4.cloned.1.call-start
scs
__scs_entry_jumppad:
0x0: {  	(pc) =	sbr.rel $0x88, $3  }
0x1: {  	(tag) =	ssettag $0x0;
	lr =	simm.s32 $0x1  }
0x2: {  	[smem:$0x3F9F] =	sst lr;
	_ =	strace $0xD0000000  }
0x3: {  	_ = 	snop  }
0x4: {  	_ = 	snop  }
0x5: {  	_ = 	snop  }
0x6: {  	_ = 	snop  }
0x7: {  	_ = 	snop  }
__scs_overlays_trampoline_lowered:
0x8: {  	[smem:$0x3FAE] =	sst s0  }
0x9: {  	[smem:$0x3FAF] =	sst s1  }
0xa: {  	[smem:$0x3FB0] =	sst s2  }
0xb: {  	[smem:$0x3FB1] =	sst s3  }
0xc: {  	[smem:$0x3FB2] =	sst s4  }
0xd: {  	[smem:$0x3FB3] =	sst s5  }
0xe: {  	[smem:$0x3FB4] =	sst s6  }
0xf: {  	[smem:$0x3FB5] =	sst s7  }
0x10: {  	[smem:$0x3FB6] =	sst s8  }
0x11: {  	[smem:$0x3FB7] =	sst s9;
	s0 =	simm.s32 @!p0 $0x0  }
0x12: {  	s1 =	sld [smem:$0x3F9D];
	s0 =	simm.s32 @p0 $0x1  }
0x13: {  	[smem:$0x3FB8] =	sst s0;
	s0 =	simm.s32 @!p1 $0x0  }
0x14: {  	s2 =	sld [smem:$0x3F9C];
	s0 =	simm.s32 @p1 $0x1  }
0x15: {  	[smem:$0x3FB9] =	sst s0;
	s0 =	simm.s32 @!p2 $0x0  }
0x16: {  	s3 =	sld [smem:$0x3FDB];
	s0 =	simm.s32 @p2 $0x1  }
0x17: {  	s4 =	simm.s32 $0x1BF5;
	[smem:$0x3FBB] =	sst s0  }
0x18: {  	s0 =	sld [smem:$0x3F9E];
	_ =	swait.ge [sflag:s4], $0x0  }
0x19: {  	s7 =	sld [smem:$0x3F9F]  }
0x1a: {  	s8 =	sadd.s32 $0xFFFFE003, lr  }
0x1b: {  	s9 =	sadd.s32 $0xFFFFFEF7, lr;
	s5 =	simm.s32 $0xFFFFFFFF;
	p2 =	slt.u32 s8, $0xFFFFF086  }
0x1c: {  	p1 =	slt.u32 s9, $0xF7A;
	s5 =	simm.s32 @!p2 $0x0  }
0x1d: {  	s5 =	simm.s32 @p1 $0x1;
	p0 =	seq.s32 s7, s2  }
0x1e: {  	s7 =	smul.u32 @!p0 $0xF7A, s2;
	p2 =	seq.s32 @!p0 s5, $0x0  }
0x1f: {  	s9 =	smul.u32 $0xF7A, s1;
	s8 =	simm.s32 @!p0 $0x1BF5;
	p2 =	por !p2, p0  }
0x20: {  	[sflag:s8] =	ssyncset.s32 @!p0 $0xFFFFF086;
	s6 =	sadd.s32 @!p0 s3, s7;
	s7 =	simm.s32 @!p0 $0x108  }
0x21: {  	s3 =	sadd.s32 s3, s9;
	s6 =	sadd.s32 @!p0 $0x88, s6;
	s7 =	simm.s32 @p2 $0x1082  }
0x22: {  	[simem:s7], [sflag:s8] =	dma.local @!p0 [hbm:s6], $0xF7A  }
0x23: {  	s9 =	sor.u32 $0xD0000000, s2;
	s6 =	simm.s32 $0x108;
	_ =	swait.ge @!p0 [sflag:s8], $0x0  }
0x24: {  	s3 =	sadd.s32 $0x88, s3;
	s6 =	simm.s32 @!p1 $0x1082;
	[sflag:s4] =	ssyncset.s32 $0xFFFFF086  }
0x25: {  	[simem:s6], [sflag:s4] =	dma.local [hbm:s3], $0xF7A  }
0x26: {  	[smem:$0x3F9F] =	sst s1;
	(tag) =	ssettag s2;
	_ =	strace s9  }
0x27: {  	s1 =	sld [smem:$0x3FAF]  }
0x28: {  	s2 =	sld [smem:$0x3FB0]  }
0x29: {  	s4 =	sld [smem:$0x3FB2]  }
0x2a: {  	p0 =	seq.s32 s5, $0x0;
	s5 =	sld [smem:$0x3FB3]  }
0x2b: {  	s6 =	sld [smem:$0x3FB4]  }
0x2c: {  	s7 =	sld [smem:$0x3FB5]  }
0x2d: {  	s3 =	simm.s32 $0x108;
	s8 =	sld [smem:$0x3FB6]  }
0x2e: {  	s3 =	simm.s32 @!p0 $0x1082;
	s9 =	sld [smem:$0x3FB7]  }
0x2f: {  	lr =	sadd.s32 s0, s3;
	s0 =	sld [smem:$0x3FAE]  }
0x30: {  	s3 =	sld [smem:$0x3FB1]  }
0x31: {  	[smem:$0x3FBA] =	sst s10  }
0x32: {  	s10 =	sld [smem:$0x3FB8];
	_ =	sdelay $0x3  }
0x33: {  	p0 =	seq.s32 s10, $0x1;
	s10 =	sld [smem:$0x3FBA];
	_ =	sdelay $0x3  }
0x34: {  	[smem:$0x3FBA] =	sst s10  }
0x35: {  	s10 =	sld [smem:$0x3FB9];
	_ =	sdelay $0x3  }
0x36: {  	p1 =	seq.s32 s10, $0x1;
	s10 =	sld [smem:$0x3FBA];
	_ =	sdelay $0x3  }
0x37: {  	[smem:$0x3FBA] =	sst s10  }
0x38: {  	s10 =	sld [smem:$0x3FBB]  }
0x39: {  	_ = 	snop;
	(pc) =	sbr.ind lr, $3  }
0x3a: {  	_ = 	snop  }
0x3b: {  	_ = 	snop  }
0x3c: {  	p2 =	seq.s32 s10, $0x1;
	s10 =	sld [smem:$0x3FBA]  }
0x3d: {  	_ =	shalt  }
0x3e: {  	_ =	shalt  }
0x3f: {  	_ =	shalt  }
0x40: {  	_ =	shalt  }
0x41: {  	_ =	shalt  }
0x42: {  	_ =	shalt  }
0x43: {  	_ =	shalt  }
0x44: {  	_ =	shalt  }
0x45: {  	_ =	shalt  }
0x46: {  	_ =	shalt  }
0x47: {  	_ =	shalt  }
0x48: {  	_ =	shalt  }
0x49: {  	_ =	shalt  }
0x4a: {  	_ =	shalt  }
0x4b: {  	_ =	shalt  }
0x4c: {  	_ =	shalt  }
0x4d: {  	_ =	shalt  }
0x4e: {  	_ =	shalt  }
0x4f: {  	_ =	shalt  }
0x50: {  	_ =	shalt  }
0x51: {  	_ =	shalt  }
0x52: {  	_ =	shalt  }
0x53: {  	_ =	shalt  }
0x54: {  	_ =	shalt  }
0x55: {  	_ =	shalt  }
0x56: {  	_ =	shalt  }
0x57: {  	_ =	shalt  }
0x58: {  	_ =	shalt  }
0x59: {  	_ =	shalt  }
0x5a: {  	_ =	shalt  }
0x5b: {  	_ =	shalt  }
0x5c: {  	_ =	shalt  }
0x5d: {  	_ =	shalt  }
0x5e: {  	_ =	shalt  }
0x5f: {  	_ =	shalt  }
0x60: {  	_ =	shalt  }
0x61: {  	_ =	shalt  }
0x62: {  	_ =	shalt  }
0x63: {  	_ =	shalt  }
0x64: {  	_ =	shalt  }
0x65: {  	_ =	shalt  }
0x66: {  	_ =	shalt  }
0x67: {  	_ =	shalt  }
0x68: {  	_ =	shalt  }
0x69: {  	_ =	shalt  }
0x6a: {  	_ =	shalt  }
0x6b: {  	_ =	shalt  }
0x6c: {  	_ =	shalt  }
0x6d: {  	_ =	shalt  }
0x6e: {  	_ =	shalt  }
0x6f: {  	_ =	shalt  }
0x70: {  	_ =	shalt  }
0x71: {  	_ =	shalt  }
0x72: {  	_ =	shalt  }
0x73: {  	_ =	shalt  }
0x74: {  	_ =	shalt  }
0x75: {  	_ =	shalt  }
0x76: {  	_ =	shalt  }
0x77: {  	_ =	shalt  }
0x78: {  	_ =	shalt  }
0x79: {  	_ =	shalt  }
0x7a: {  	_ =	shalt  }
0x7b: {  	_ =	shalt  }
0x7c: {  	_ =	shalt  }
0x7d: {  	_ =	shalt  }
0x7e: {  	_ =	shalt  }
0x7f: {  	_ =	shalt  }
0x80: {  	_ =	shalt  }
0x81: {  	_ =	shalt  }
0x82: {  	_ =	shalt  }
0x83: {  	_ =	shalt  }
0x84: {  	_ =	shalt  }
0x85: {  	_ =	shalt  }
0x86: {  	_ =	shalt  }
0x87: {  	_ =	shalt  }
.Lfunc_end0:
.L_simem_size_0:
called_computation_lowered:
.L_overlay_start_0:
0x88: {  	s2 =	sld [smem:$0x3FD9]  }
0x89: {  	s3 =	sld [smem:$0x3FFE];
	_ =	sdelay $0x1  }
0x8a: {  	s1 =	srdreg.scid  }
0x8b: {  	s0 =	sand.u32 $0x1, s1  }
0x8c: {  	s17 =	sshll.u32 s0, $0xA;
	s2 =	sadd.s32 s3, s2  }
0x8d: {  	s2 =	sadd.s32 s2, s17  }
0x8e: {  	[smem:$0x3FC6] =	sst s2  }
0x8f: {  	_ = 	snop  }
0x90: {  	s2 =	sld [smem:$0x3FC8]  }
0x91: {  	s18 =	sld [smem:$0x3FD0];
	(tm) =	ssettm $0x1  }
0x92: {  	s4 =	sld [smem:$0x3FFB];
	_ =	sdelay $0x3  }
0x93: {  	_ =	strace s4  }
0x94: {  	s4 =	sld [smem:$0x3FFC];
	_ =	sdelay $0x3  }
0x95: {  	_ =	strace s4  }
0x96: {  	s4 =	sld [smem:$0x3FFD];
	_ =	sdelay $0x3  }
0x97: {  	_ =	strace s4  }
0x98: {  	_ =	strace $0x8FFFFFFF  }
0x99: {  	s19 =	sld [smem:$0x3FDB];
	_ =	sdelay $0x1  }
0x9a: {  	s5 =	simm.s32 $_scs_section_size  }
0x9b: {  	s6 =	simm.s32 $_size__tile_overlayer_lowered;
	s7 =	simm.s32 $_tile_overlayer_lowered  }
0x9c: {  	s22 =	simm.s32 $0x1BFF;
	s21 =	sshll.u32 s7, $0x1;
	s4 =	sadd.s32 s5, s19  }
0x9d: {  	s8 =	simm.s32 $0x0;
	s20 =	sshll.u32 s6, $0x1;
	s6 =	sadd.s32 s21, s4  }
0x9e: {  	[timem:s8], [sflag:s22] =	dma.local [hbm:s6], s20  }
0x9f: {  	_ =	swait.ge [sflag:s22], s20  }
0xa0: {  	s5 =	ssub.s32 $0x0, s20;
	[sflag:s22] =	ssyncset.done $0x0  }
0xa1: {  	[sflag:s22] =	ssyncadd.s32 s5;
	_ =	sdelay $0x1  }
0xa2: {  	s23 =	simm.s32 $0x1B8B  }
0xa3: {  	_ =	swait.ge [sflag:s23], $0x1  }
0xa4: {  	[sflag:s23] =	ssyncset.done $0x0  }
0xa5: {  	s25 =	simm.s32 $0x1B8E;
	s24 =	sld [smem:$0x3FFE];
	[sflag:s23] =	ssyncadd.s32 $0xFFFFFFFF  }
0xa6: {  	s26 =	simm.s32 $execute0_lowered;
	[smem:$0x3FD2] =	sst s25  }
0xa7: {  	s6 =	sshll.u32 s26, $0x1;
	_ =	strace $0x80000046;
	[dreg:$0x1] =	wrdreg $0xFFFFFFFF  }
0xa8: {  	s28 =	simm.s32 $_size_execute0_lowered;
	s4 =	sadd.s32 s4, s6;
	[dreg:$0x0] =	wrdreg $0x0  }
0xa9: {  	s6 =	sshll.u32 s28, $0x1;
	[dreg:$0x2] =	wrdreg s4  }
0xaa: {  	[dreg:$0x3] =	wrdreg s6  }
0xab: {  	[dreg:$0x4] =	wrdreg $0xC0  }
0xac: {  	_ =	task [dreg:s8], $0x5FFFF  }
0xad: {  	[dreg:$0x1] =	wrdreg $0xFFFFFFFF  }
0xae: {  	[dreg:$0x0] =	wrdreg $0x60  }
0xaf: {  	[dreg:$0x2] =	wrdreg s2  }
0xb0: {  	[dreg:$0x3] =	wrdreg s18  }
0xb1: {  	[dreg:$0x4] =	wrdreg s24  }
0xb2: {  	[dreg:$0x5] =	wrdreg $0x9  }
0xb3: {  	_ =	task.clear_ibuf [dreg:s8], $0x6FFFF;
	_ =	strace $0x90000046  }
0xb4: {  	s29 =	simm.s32 $0x9;
	_ =	strace $0x80000048  }
0xb5: {  	_ =	swait.ge [sflag:s29], $0x1  }
0xb6: {  	[sflag:s29] =	ssyncadd.s32 $0xFFFFFFFF  }
0xb7: {  	_ =	strace $0x90000048  }
0xb8: {  	_ =	sfence  }
0xb9: {  	s30 =	sld [smem:$0x0];
	_ =	sdelay $0x2  }
0xba: {  	s31 =	sshll.u32 s1, $0xD;
	s1 =	sshrl.u32 s1, $0x2  }
0xbb: {  	s3 =	sand.u32 $0x4000, s31;
	s1 =	sadd.s32 s1, s30  }
0xbc: {  	s0 =	sor.u32 s3, s0;
	s1 =	sshll.u32 s1, $0x11  }
0xbd: {  	s0 =	sor.u32 s1, s0  }
0xbe: {  	s0 =	sadd.s32 $0x8F2B, s0  }
0xbf: {  	[sflag:s0] =	ssyncadd.remote.s32 $0x1  }
0xc0: {  	_ =	sfence.sel $0xFFFF  }
0xc1: {  	[dreg:$0x0] =	wrdreg $0xFFFFFFFF;
	(pc) =	sbr.abs _section_cstart, $3  }
0xc2: {  	[dreg:$0x1] =	wrdreg $0xFFFFFFFF  }
0xc3: {  	_ =	task.clear_ibuf [dreg:s8], $0x2FFFF;
	_ =	strace $0x9FFFFFFF  }
0xc4: {  	(tm) =	ssettm $0x7FFFFFFF  }
0xc5: {  	_ =	shalt  }
tec
execute0_lowered:
.L_overlay_start_1:
0x0: {  	(tag) =	ssettag $0x1  }
0x1: {  	s0 =	srdreg.scid  }
0x2: {  	s7 =	sand.u32 $0x1, s0;
	s0 =	stileid.u32  }
0x3: {  	s4 =	sor.u32 s0, s7  }
0x4: {  	p0 =	sne.s32 s4, $0x0  }
.Ltmp0:
0x5: {  	_ = 	snop;
	(pc) =	sbr.rel @p0 .LBB2_4-.Ltmp0, $4  }
0x6: {  	s3 =	rddreg [dreg:$0x0]  }
0x7: {  	s2 =	rddreg [dreg:$0x1]  }
0x8: {  	s6 =	rddreg [dreg:$0x2]  }
0x9: {  	s1 =	rddreg [dreg:$0x3];
	_ =	strace $0x80000047  }
0xa: {  	s5 =	simm.s32 $0x0;
	s4 =	simm.s32 $0x2  }
0xb: {  	[tilespmem:s5], [sflag:$0x2] =	stream.linear.gather [hbm4b:s3+s5], $0x80, $0x38;
	[tilespmem:$0x180] =	vst v63  }
0xc: {  	_ =	swait.ge [sflag:s4], $0x80  }
0xd: {  	[sflag:s4] =	ssyncset.done $0x0  }
0xe: {  	[sflag:s4] =	ssyncadd.s32 $0xFFFFFF80  }
0xf: {  	v0 =	vld [tilespmem:$0x30]  }
0x10: {  	v1 =	vld [tilespmem:$0x20]  }
0x11: {  	v2 =	vld [tilespmem:$0x10]  }
0x12: {  	s7 =	ssub.s32 $0x2, s7  }
0x13: {  	s8 =	sshrl.u32 s7, $0x1  }
0x14: {  	s11 =	ssub.s32 s7, s8;
	v3 =	vld [tilespmem:$0x0]  }
0x15: {  	p0 =	sne.s32 s11, $0x1  }
.Ltmp1:
0x16: {  	v4 =	vadd.s32 $0xFFFFFFFF, v0;
	v5 =	vadd.s32 $0xFFFFFFFF, v1;
	v6 =	vadd.s32 $0xFFFFFFFF, v2;
	(pc) =	sbr.rel @!p0 .LBB2_3-.Ltmp1, $4  }
0x17: {  	v1 =	vadd.s32 $0x3E7, v1;
	v2 =	vadd.s32 $0x3E7, v2;
	vm1 =	vlt.s32 v5, $0x0  }
0x18: {  	v63 =	vadd.s32 $0x3E7, v0;
	vm2 =	vlt.s32 v6, $0x0;
	v1 =	vsel vm1, v1, v5  }
0x19: {  	s6 =	sadd.s32 $0x600, s6;
	s9 =	simm.s32 $0x100;
	s10 =	simm.s32 $0x1;
	v0 =	vadd.s32 $0xFFFFFFFF, v3;
	vm0 =	vlt.s32 v4, $0x0;
	v6 =	vsel vm2, v2, v6;
	[tilespmem:$0xA0] =	vst v1  }
0x1a: {  	s7 =	simm.s32 $0x40;
	s8 =	simm.s32 $0x80;
	s11 =	sadd.s32 $0xFFFFFFFF, s11;
	v2 =	vadd.s32 $0x3E7, v3;
	v1 =	vsel vm0, v63, v4;
	vm0 =	vlt.s32 v0, $0x0;
	[tilespmem:$0x90] =	vst v6  }
.LBB2_2:
0x1b: {  	p0 =	sne.s32 s11, $0x1;
	s11 =	sadd.s32 $0xFFFFFFFF, s11;
	v0 =	vsel vm0, v2, v0;
	[tilespmem:$0xB0] =	vst v1  }
0x1c: {  	[tilespmem:$0x80] =	vst v0  }
0x1d: {  	[tilespmem:s9], [sflag:$0x1] =	stream.indirect.gather [hbm4b:s2+s7], $0x1, s8, s7, $0xb8;
	[tilespmem:$0x180] =	vst v63  }
0x1e: {  	_ =	swait.ge [sflag:s10], $0x40  }
0x1f: {  	[sflag:s10] =	ssyncset.done $0x0  }
0x20: {  	[sflag:s10] =	ssyncadd.s32 $0xFFFFFFC0  }
0x21: {  	[hbm4b:s6+s5] =	stream.linear.scatter [tilespmem:s9], [sflag:$0x2], $0x80, $0x38;
	[tilespmem:$0x180] =	vst v63  }
0x22: {  	_ =	swait.ge [sflag:s4], $0x80  }
0x23: {  	[sflag:s4] =	ssyncset.done $0x0  }
0x24: {  	[sflag:s4] =	ssyncadd.s32 $0xFFFFFF80  }
0x25: {  	[tilespmem:s5], [sflag:$0x2] =	stream.linear.gather [hbm4b:s3+s5], $0x80, $0x38;
	[tilespmem:$0x180] =	vst v63  }
0x26: {  	_ =	swait.ge [sflag:s4], $0x80  }
0x27: {  	[sflag:s4] =	ssyncset.done $0x0  }
0x28: {  	[sflag:s4] =	ssyncadd.s32 $0xFFFFFF80  }
0x29: {  	v0 =	vld [tilespmem:$0x30]  }
0x2a: {  	v1 =	vld [tilespmem:$0x20]  }
0x2b: {  	v2 =	vld [tilespmem:$0x10]  }
0x2c: {  	v3 =	vld [tilespmem:$0x0];
	_ =	sdelay $0x1  }
0x2d: {  	v4 =	vadd.s32 $0xFFFFFFFF, v0  }
.Ltmp2:
0x2e: {  	v6 =	vadd.s32 $0x3E7, v0;
	v5 =	vadd.s32 $0xFFFFFFFF, v1;
	vm0 =	vlt.s32 v4, $0x0;
	(pc) =	sbr.rel @p0 .LBB2_2-.Ltmp2, $4  }
0x2f: {  	v0 =	vadd.s32 $0x3E7, v1;
	v7 =	vadd.s32 $0xFFFFFFFF, v2;
	vm1 =	vlt.s32 v5, $0x0  }
0x30: {  	v1 =	vadd.s32 $0x3E7, v2;
	vm2 =	vlt.s32 v7, $0x0;
	v2 =	vsel vm1, v0, v5  }
0x31: {  	v0 =	vadd.s32 $0xFFFFFFFF, v3;
	v5 =	vsel vm2, v1, v7;
	[tilespmem:$0xA0] =	vst v2;
	v1 =	vsel vm0, v6, v4  }
0x32: {  	vm0 =	vlt.s32 v0, $0x0;
	v2 =	vadd.s32 $0x3E7, v3;
	[tilespmem:$0x90] =	vst v5  }
.LBB2_3:
0x33: {  	v0 =	vsel vm0, v2, v0;
	[tilespmem:$0xB0] =	vst v1  }
0x34: {  	[tilespmem:$0x80] =	vst v0  }
0x35: {  	[tilespmem:s9], [sflag:$0x1] =	stream.indirect.gather [hbm4b:s2+s7], $0x1, s8, s7, $0xb8;
	[tilespmem:$0x180] =	vst v63  }
0x36: {  	_ =	swait.ge [sflag:s10], $0x40  }
0x37: {  	[sflag:s10] =	ssyncset.done $0x0  }
0x38: {  	[sflag:s10] =	ssyncadd.s32 $0xFFFFFFC0  }
0x39: {  	[hbm4b:s6+s5] =	stream.linear.scatter [tilespmem:s9], [sflag:$0x2], $0x80, $0x38;
	[tilespmem:$0x180] =	vst v63  }
0x3a: {  	_ =	swait.ge [sflag:s4], $0x80  }
0x3b: {  	[sflag:s4] =	ssyncset.done $0x0  }
0x3c: {  	[sflag:s4] =	ssyncadd.s32 $0xFFFFFF80  }
.LBB2_4:
0x3d: {  	_ =	sfence.sel $0x180000  }
0x3e: {  	[bflag:$0x0] =	sbarrier.arrive $0xFFFF  }
0x3f: {  	p0 =	sne.s32 s0, $0x0;
	_ =	strace $0x90000047  }
0x40: {  	s0 =	sadd.s32 @!p0 $0x100000, s1;
	[bflag:$0x2] =	sbarrier.arrive $0xFFFF  }
0x41: {  	[sflag:s0] =	ssyncadd.tile.s32 @!p0 $0x1;
	_ =	shalt  }
.Lfunc_end2:
_tile_overlayer_lowered:
.L_overlay_start_2:
0x42: {  	(tag) =	ssettag $0x2  }
0x43: {  	s0 =	rddreg [dreg:$0x0];
	s2 =	stileid.u32  }
0x44: {  	s1 =	rddreg [dreg:$0x1];
	p0 =	sne.s32 s2, $0x0  }
0x45: {  	s3 =	rddreg [dreg:$0x2];
	[bflag:$0x3] =	sbarrier.arrive $0xFFFF;
	s2 =	simm.s32 @!p0 $0x1C02  }
0x46: {  	[timem:s3], [sflag:s2] =	dma.local @!p0 [hbm:s0], s1  }
0x47: {  	s0 =	simm.s32 @!p0 $0x2  }
0x48: {  	_ =	swait.ge @!p0 [sflag:s0], s1  }
0x49: {  	s1 =	ssub.s32 @!p0 $0x0, s1;
	[sflag:s0] =	ssyncset.done @!p0 $0x0  }
0x4a: {  	[sflag:s0] =	ssyncadd.s32 @!p0 s1  }
0x4b: {  	[bflag:$0x3] =	sbarrier.arrive $0xFFFF  }
0x4c: {  	_ =	shalt  }

</sc_bundles>
